<compile_context>
chip_gen: v7x
topology: tpu7x:2x2x1
jax: 0.10.2.dev20260603
libtpu: 0.0.44.dev20260713+nightly
codegen_flags: <defaults>
</compile_context>

<pallas_src>
import numpy as np
import jax
import jax.numpy as jnp
from jax.experimental import pallas as pl
from jax.experimental.pallas import tpu as pltpu

_H_DISC = 4
_W_DISC = 4
_DISC = _H_DISC * _W_DISC


def _interp_matrix(n_in: int, n_out: int) -> np.ndarray:
    a = np.zeros((n_out, n_in), np.float64)
    s = n_in / n_out
    for i in range(n_out):
        x = (i + 0.5) * s - 0.5
        lo = int(np.floor(x))
        t = x - lo
        for idx, w in ((lo, 1.0 - t), (lo + 1, t)):
            a[i, min(max(idx, 0), n_in - 1)] += w
    return a.astype(np.float32)


def _upsample_kernel(emb_ref, b_ref, f_ref, o_ref):
    cont = jnp.dot(emb_ref[...], b_ref[...],
                   preferred_element_type=jnp.float32)
    o_ref[...] = f_ref[...] + cont[None, :, :]


def kernel(f, emb_w):
    batch, seq, ch, fh, fw = f.shape
    hw = fh * fw

    a_h = _interp_matrix(_H_DISC, fh)
    a_w = _interp_matrix(_W_DISC, fw)
    b_mat = jnp.asarray(np.kron(a_h, a_w).T)

    f3 = f.reshape(batch, seq * ch, hw)
    emb3 = emb_w.reshape(emb_w.shape[0] * ch, _DISC)

    seq_block = 4
    rows = seq_block * ch
    grid = (seq // seq_block,)

    out = pl.pallas_call(
        _upsample_kernel,
        grid=grid,
        in_specs=[
            pl.BlockSpec((rows, _DISC), lambda i: (i, 0)),
            pl.BlockSpec((_DISC, hw), lambda i: (0, 0)),
            pl.BlockSpec((batch, rows, hw), lambda i: (0, i, 0)),
        ],
        out_specs=pl.BlockSpec((batch, rows, hw), lambda i: (0, i, 0)),
        out_shape=jax.ShapeDtypeStruct((batch, seq * ch, hw), jnp.float32),
        compiler_params=pltpu.CompilerParams(
            dimension_semantics=("arbitrary",),
        ),
    )(emb3, b_mat, f3)
    return out.reshape(f.shape)

# --- scband reference (transcript-rebuilt; emitter-appended) ---
"""Pipeline reference for scband-func-pos-embedding2d-34660386078729 (READ-ONLY COPY).

The authoritative reference and input builder live on the scoring server;
editing this copy changes nothing except your own understanding.
"""

import jax, jax.numpy as jnp
import numpy as np

CHANNELS = 192
H_DISC = 4
W_DISC = 4
MAX_SEQ_LEN = 2048

def setup_inputs(seed: int = 0) -> dict:
    key = jax.random.key(seed)
    k1, k2 = jax.random.split(key)
    f = jax.random.normal(k1, (2, 128, CHANNELS, 32, 32), dtype=jnp.float32)
    emb_w = jax.random.normal(k2, (MAX_SEQ_LEN, CHANNELS * H_DISC * W_DISC), dtype=jnp.float32)
    return {"f": f, "emb_w": emb_w}

def reference(f, emb_w):
    seq_len = f.shape[1]
    func_h = f.shape[-2]
    func_w = f.shape[-1]
    seq_idx = jnp.arange(seq_len)
    # embedding lookup (gather) then reshape to a discrete 4x4 positional map
    disc = jnp.take(emb_w, seq_idx, axis=0).reshape(-1, CHANNELS, H_DISC, W_DISC)
    # bilinear upsample to the functional resolution (matches torch F.interpolate,
    # mode='bilinear', align_corners=False / half-pixel centers)
    cont = jax.image.resize(disc, (seq_len, CHANNELS, func_h, func_w), method='bilinear')
    return f + cont[None, ...]

if __name__ == "__main__":
    import jax
    _d = setup_inputs()
    print(jax.jit(kernel)(*tuple(_d.values())))

</pallas_src>

<mosaic_0001>
module attributes {stable_mosaic.version = 14 : i64} {
  func.func @_upsample_kernel(%arg0: i32, %arg1: memref<768x16xf32, #tpu.memory_space<vmem>>, %arg2: memref<16x1024xf32, #tpu.memory_space<vmem>>, %arg3: memref<2x768x1024xf32, #tpu.memory_space<vmem>>, %arg4: memref<2x768x1024xf32, #tpu.memory_space<vmem>>) attributes {dimension_semantics = [#tpu.dimension_semantics<arbitrary>], iteration_bounds = array<i64: 32>, scalar_prefetch = 0 : i64, scratch_operands = 0 : i64, tpu.core_type = #tpu.core_type<tc>, window_params = [{transform_indices = @transform_0, window_bounds = array<i64: 768, 16>}, {pipeline_mode = #tpu.pipeline_mode<synchronous>, transform_indices = @transform_1, window_bounds = array<i64: 16, 1024>}, {transform_indices = @transform_2, window_bounds = array<i64: 2, 768, 1024>}, {transform_indices = @transform_3, window_bounds = array<i64: 2, 768, 1024>}]} {
    %get3A = arith.constant 0 : index
    %get3A_0 = arith.constant 0 : index
    %get3A_1 = vector.load %arg1[%get3A, %get3A_0] : memref<768x16xf32, #tpu.memory_space<vmem>>, vector<768x16xf32>
    %get3A_2 = arith.constant 0 : index
    %get3A_3 = arith.constant 0 : index
    %get3A_4 = vector.load %arg2[%get3A_2, %get3A_3] : memref<16x1024xf32, #tpu.memory_space<vmem>>, vector<16x1024xf32>
    %dot_general3A = arith.constant dense<0.000000e+00> : vector<768x1024xf32>
    %dot_general3A_5 = tpu.matmul %get3A_1, %get3A_4, %dot_general3A {dimension_numbers = #tpu.dot_dimension_numbers<[1], [0], [0], [1], [0, 0, 1, 1], [], []>, transpose_lhs_hint = false} : vector<768x16xf32>, vector<16x1024xf32>, vector<768x1024xf32> -> vector<768x1024xf32>
    %get3A_6 = arith.constant 0 : index
    %get3A_7 = arith.constant 0 : index
    %get3A_8 = arith.constant 0 : index
    %get3A_9 = vector.load %arg3[%get3A_6, %get3A_7, %get3A_8] : memref<2x768x1024xf32, #tpu.memory_space<vmem>>, vector<2x768x1024xf32>
    %broadcast_in_dim3A = vector.shape_cast %dot_general3A_5 : vector<768x1024xf32> to vector<1x768x1024xf32>
    %add3A = vector.broadcast %broadcast_in_dim3A : vector<1x768x1024xf32> to vector<2x768x1024xf32>
    %add3A_10 = arith.addf %get3A_9, %add3A : vector<2x768x1024xf32>
    %swap3A = arith.constant 0 : index
    %swap3A_11 = arith.constant 0 : index
    %swap3A_12 = arith.constant 0 : index
    %swap3A_13 = vector.load %arg4[%swap3A, %swap3A_11, %swap3A_12] : memref<2x768x1024xf32, #tpu.memory_space<vmem>>, vector<2x768x1024xf32>
    tpu.vector_store %arg4[%swap3A, %swap3A_11, %swap3A_12], %add3A_10 {strides = array<i32>} : memref<2x768x1024xf32, #tpu.memory_space<vmem>>, vector<2x768x1024xf32>,
    return
  }
  func.func @transform_0(%arg0: i32) -> (i32, i32) {
    %c0_i32 = arith.constant 0 : i32
    %c0_i32_0 = arith.constant 0 : i32
    return %arg0, %c0_i32 : i32, i32
  }
  func.func @transform_1(%arg0: i32) -> (i32, i32) {
    %c0_i32 = arith.constant 0 : i32
    %c0_i32_0 = arith.constant 0 : i32
    %c0_i32_1 = arith.constant 0 : i32
    return %c0_i32, %c0_i32_0 : i32, i32
  }
  func.func @transform_2(%arg0: i32) -> (i32, i32, i32) {
    %c0_i32 = arith.constant 0 : i32
    %c0_i32_0 = arith.constant 0 : i32
    %c0_i32_1 = arith.constant 0 : i32
    return %c0_i32, %arg0, %c0_i32_0 : i32, i32, i32
  }
  func.func @transform_3(%arg0: i32) -> (i32, i32, i32) {
    %c0_i32 = arith.constant 0 : i32
    %c0_i32_0 = arith.constant 0 : i32
    %c0_i32_1 = arith.constant 0 : i32
    return %c0_i32, %arg0, %c0_i32_0 : i32, i32, i32
  }
}

</mosaic_0001>

<sc_bundles>
// kernel: sparse-core-data-format-call.cloned.1.call-start
scs
called_computation_lowered:
.L_overlay_start_0:
0x0: {  	s2 =	sld [smem:$0x3FD9]  }
0x1: {  	s3 =	sld [smem:$0x3FFE];
	_ =	sdelay $0x1  }
0x2: {  	s1 =	srdreg.scid  }
0x3: {  	s0 =	sand.u32 $0x1, s1  }
0x4: {  	s18 =	sshll.u32 s0, $0xA;
	s2 =	sadd.s32 s3, s2  }
0x5: {  	s2 =	sadd.s32 s2, s18  }
0x6: {  	[smem:$0x3FC6] =	sst s2  }
0x7: {  	_ = 	snop  }
0x8: {  	s2 =	sld [smem:$0x3FD0];
	(tm) =	ssettm $0x1  }
0x9: {  	s19 =	sld [smem:$0x3FFB];
	_ =	sdelay $0x3  }
0xa: {  	_ =	strace s19  }
0xb: {  	s3 =	sld [smem:$0x3FFC];
	_ =	sdelay $0x3  }
0xc: {  	_ =	strace s3  }
0xd: {  	s3 =	sld [smem:$0x3FFD];
	_ =	sdelay $0x3  }
0xe: {  	_ =	strace s3  }
0xf: {  	_ =	strace $0x8FFFFFFF  }
0x10: {  	s20 =	sld [smem:$0x3FDB];
	_ =	sdelay $0x1  }
0x11: {  	s4 =	simm.s32 $_scs_section_size  }
0x12: {  	s5 =	simm.s32 $_size__tile_overlayer_lowered;
	s6 =	simm.s32 $_tile_overlayer_lowered  }
0x13: {  	s23 =	simm.s32 $0x1BFF;
	s22 =	sshll.u32 s6, $0x1;
	s3 =	sadd.s32 s4, s20  }
0x14: {  	s7 =	simm.s32 $0x0;
	s21 =	sshll.u32 s5, $0x1;
	s5 =	sadd.s32 s22, s3  }
0x15: {  	[timem:s7], [sflag:s23] =	dma.local [hbm:s5], s21  }
0x16: {  	_ =	swait.ge [sflag:s23], s21  }
0x17: {  	s4 =	ssub.s32 $0x0, s21;
	[sflag:s23] =	ssyncset.done $0x0  }
0x18: {  	[sflag:s23] =	ssyncadd.s32 s4;
	_ =	sdelay $0x1  }
0x19: {  	s24 =	simm.s32 $0x1B8B  }
0x1a: {  	_ =	swait.ge [sflag:s24], $0x1  }
0x1b: {  	[sflag:s24] =	ssyncset.done $0x0  }
0x1c: {  	s26 =	simm.s32 $0x1B8E;
	s25 =	sld [smem:$0x3FFE];
	[sflag:s24] =	ssyncadd.s32 $0xFFFFFFFF  }
0x1d: {  	s27 =	simm.s32 $execute0_lowered;
	[smem:$0x3FD2] =	sst s26  }
0x1e: {  	s5 =	sshll.u32 s27, $0x1;
	_ =	strace $0x80000046;
	[dreg:$0x1] =	wrdreg $0xFFFFFFFF  }
0x1f: {  	s28 =	simm.s32 $_size_execute0_lowered;
	s3 =	sadd.s32 s3, s5;
	[dreg:$0x0] =	wrdreg $0x0  }
0x20: {  	s5 =	sshll.u32 s28, $0x1;
	[dreg:$0x2] =	wrdreg s3  }
0x21: {  	[dreg:$0x3] =	wrdreg s5  }
0x22: {  	[dreg:$0x4] =	wrdreg $0xC0  }
0x23: {  	_ =	task [dreg:s7], $0x5FFFF  }
0x24: {  	[dreg:$0x1] =	wrdreg $0xFFFFFFFF  }
0x25: {  	[dreg:$0x0] =	wrdreg $0x60  }
0x26: {  	[dreg:$0x2] =	wrdreg s25  }
0x27: {  	[dreg:$0x3] =	wrdreg s2  }
0x28: {  	[dreg:$0x4] =	wrdreg $0x9  }
0x29: {  	_ =	task.clear_ibuf [dreg:s7], $0x5FFFF;
	_ =	strace $0x90000046  }
0x2a: {  	s29 =	simm.s32 $0x9;
	_ =	strace $0x80000048  }
0x2b: {  	_ =	swait.ge [sflag:s29], $0x1  }
0x2c: {  	[sflag:s29] =	ssyncadd.s32 $0xFFFFFFFF  }
0x2d: {  	_ =	strace $0x90000048  }
0x2e: {  	_ =	sfence  }
0x2f: {  	s30 =	sld [smem:$0x0];
	_ =	sdelay $0x2  }
0x30: {  	s31 =	sshll.u32 s1, $0xD;
	s1 =	sshrl.u32 s1, $0x2  }
0x31: {  	s3 =	sand.u32 $0x4000, s31;
	s1 =	sadd.s32 s1, s30  }
0x32: {  	s0 =	sor.u32 s3, s0;
	s1 =	sshll.u32 s1, $0x11  }
0x33: {  	s0 =	sor.u32 s1, s0  }
0x34: {  	s0 =	sadd.s32 $0x8F2B, s0  }
0x35: {  	[sflag:s0] =	ssyncadd.remote.s32 $0x1  }
0x36: {  	_ =	sfence.sel $0xFFFF  }
0x37: {  	[dreg:$0x0] =	wrdreg $0xFFFFFFFF;
	(pc) =	sbr.abs _section_cstart, $3  }
0x38: {  	[dreg:$0x1] =	wrdreg $0xFFFFFFFF  }
0x39: {  	_ =	task.clear_ibuf [dreg:s7], $0x2FFFF;
	_ =	strace $0x9FFFFFFF  }
0x3a: {  	(tm) =	ssettm $0x7FFFFFFF  }
0x3b: {  	_ =	shalt  }
tec
execute0_lowered:
.L_overlay_start_1:
0x0: {  	(tag) =	ssettag $0x1  }
0x1: {  	s0 =	stileid.u32  }
0x2: {  	s4 =	rddreg [dreg:$0x0];
	s5 =	srdreg.scid  }
0x3: {  	_ =	strace $0x80000047;
	s8 =	simm.s32 $0x2;
	s24 =	simm.s32 $0x0  }
0x4: {  	p0 =	por $0x0, $0x0;
	s21 =	simm.s32 $0x0;
	s22 =	simm.s32 $0x0  }
0x5: {  	s23 =	simm.s32 $0x0;
	s25 =	simm.s32 $0x0;
	s10 =	simm.s32 $0x0  }
0x6: {  	s11 =	simm.s32 $0x0;
	s12 =	simm.s32 $0x0;
	s14 =	simm.s32 $0x0  }
0x7: {  	s15 =	simm.s32 $0x0;
	s16 =	simm.s32 $0x0;
	s2 =	sand.u32 $0x1, s0  }
0x8: {  	s17 =	simm.s32 $0x0;
	s20 =	simm.s32 $0x0;
	s6 =	ssub.s32 $0x2, s2  }
0x9: {  	s5 =	sshll.u32 s5, $0x4;
	s4 =	sadd.s32 $0x800, s4;
	s7 =	sshll.u32 s6, $0x1  }
.Ltmp0:
0xa: {  	s5 =	sand.u32 $0x10, s5;
	s7 =	sand.u32 $0x2, s7;
	(pc) =	sbr.rel .LBB1_1-.Ltmp0, $4  }
0xb: {  	s19 =	smov.u32 s2;
	s5 =	sor.u32 s0, s5;
	s7 =	sadd.s32 s6, s7  }
0xc: {  	s0 =	simm.s32 $0x0;
	s6 =	simm.s32 $0x1;
	s7 =	sshll.u32 s7, $0x6  }
0xd: {  	s5 =	sshrl.u32 s5, $0x1;
	[sflag:s6] =	ssyncpa.u1 $0x0;
	s7 =	sand.u32 $0x180, s7  }
0xe: {  	s18 =	smov.u32 s5;
	[sflag:s8] =	ssyncpa.u1 $0x0;
	s8 =	sor.u32 $0x1, s7  }
.LBB1_4:
0xf: {  	s1 =	sshra.s32 s14, $0x1F  }
0x10: {  	p1 =	sgt.s32 s14, $0x1;
	s31 =	smov.u32 s14;
	[tilespmem:s28+$0x2040 ss:$0x81] =	vst.msk $0xffff, v4;
	s1 =	sand.u32 s1, s14  }
0x11: {  	s30 =	sshra.s32 s30, $0x2;
	[tilespmem:s28+$0x2850 ss:$0x81] =	vst.msk $0xffff, v3;
	s31 =	simm.s32 @!p1 $0x1;
	s1 =	sxor.u32 $0xFFFFFFFF, s1  }
0x12: {  	s13 =	smov.u32 s0;
	s3 =	sshra.s32 s0, $0x1F;
	[tilespmem:s28+$0x3060 ss:$0x81] =	vst.msk $0xffff, v2;
	s1 =	sadd.s32 s1, s31  }
0x13: {  	[tilespmem:s28+$0x0 ss:$0x81] =	vst.msk $0xffff, v1;
	s28 =	smul.u32 $0x300000, s14;
	p1 =	sgt.s32 s1, $0x0;
	s1 =	ssub.s32 $0x1, s1  }
0x14: {  	s31 =	smov.u32 s10;
	s1 =	simm.s32 @p1 $0x0;
	p1 =	sgt.s32 s10, $0x40  }
0x15: {  	s29 =	sadd.s32 s30, s29;
	s31 =	simm.s32 @!p1 $0x40;
	p1 =	sgt.s32 s0, $0x1F  }
0x16: {  	s3 =	sand.u32 s3, s0;
	s30 =	sshra.s32 s12, $0x1F;
	s13 =	simm.s32 @!p1 $0x1F  }
0x17: {  	p1 =	sgt.s32 s12, $0x1F;
	s3 =	ssub.s32 s13, s3;
	s13 =	smov.u32 s12  }
0x18: {  	s30 =	sand.u32 s30, s12;
	s9 =	sadd.s32 $0xFFFFFFE1, s3;
	s13 =	simm.s32 @!p1 $0x1F  }
0x19: {  	s3 =	ssub.s32 $0x20, s3;
	p1 =	sgt.s32 s9, $0x0;
	s9 =	ssub.s32 s13, s30  }
0x1a: {  	s13 =	sshll.u32 s12, $0x7;
	s3 =	simm.s32 @p1 $0x0;
	s30 =	sadd.s32 $0xFFFFFFE1, s9  }
0x1b: {  	s9 =	ssub.s32 $0x20, s9;
	p1 =	sgt.s32 s30, $0x0;
	s30 =	sshll.u32 s11, $0x3  }
0x1c: {  	s1 =	smul.u32 s1, s3;
	s3 =	sand.u32 $0xC00, s13;
	s30 =	sand.u32 $0xC00, s30  }
0x1d: {  	v5 =	vld [tilespmem:s27+$0xFFFFFFD0];
	s13 =	sand.u32 $0x380, s13;
	s9 =	simm.s32 @p1 $0x0;
	s3 =	sadd.s32 s3, s30  }
0x1e: {  	v58 =	vld [tilespmem:s27+$0xFFFFFFE0];
	s30 =	ssub.s32 $0x0, s11;
	s1 =	smul.u32 s9, s1;
	s9 =	sshra.s32 s10, $0x1F  }
0x1f: {  	v59 =	vld [tilespmem:s27+$0xFFFFFFF0];
	s30 =	smin.u32 s11, s30;
	s9 =	sand.u32 s9, s10;
	s3 =	sor.u32 s13, s3  }
0x20: {  	v60 =	vld [tilespmem:s27+$0x0];
	p1 =	sgt.s32 s30, $0x7F;
	s30 =	ssub.s32 $0x80, s30;
	s9 =	ssub.s32 s31, s9  }
0x21: {  	v61 =	vld [tilespmem:s27+$0x10];
	[tilespmem:s29+$0x3870 ss:$0x81] =	vst.msk $0xffff, v0;
	s3 =	sshrl.u32 s3, $0x3;
	s30 =	simm.s32 @p1 $0x0;
	s31 =	sadd.s32 $0xFFFFFFC0, s9  }
0x22: {  	v62 =	vld [tilespmem:s27+$0x20];
	[tilespmem:s29+$0x810 ss:$0x81] =	vst.msk $0xffff, v5;
	s9 =	ssub.s32 $0xC0, s9;
	s3 =	sand.u32 $0x1F0, s3;
	s1 =	smul.u32 s30, s1  }
0x23: {  	v63 =	vld [tilespmem:s27+$0xFFFFFFC0];
	[tilespmem:s29+$0x1020 ss:$0x81] =	vst.msk $0xffff, v58;
	p1 =	sgt.s32 s31, $0x7F;
	s30 =	sshll.u32 s0, $0x9;
	s31 =	rddreg [dreg:$0x1]  }
0x24: {  	[tilespmem:s29+$0x1830 ss:$0x81] =	vst.msk $0xffff, v59;
	s9 =	simm.s32 @p1 $0x0;
	s13 =	sadd.s32 s31, s28;
	s28 =	sshll.u32 s10, $0xE  }
0x25: {  	[tilespmem:s29+$0x2040 ss:$0x81] =	vst.msk $0xffff, v60;
	s1 =	smul.u32 s9, s1;
	s9 =	sadd.s32 s30, s13;
	s30 =	sshrl.u32 s11, $0x3  }
0x26: {  	[tilespmem:s29+$0x2850 ss:$0x81] =	vst.msk $0xffff, v61;
	s31 =	sand.u32 $0x7, s11;
	s13 =	sand.u32 $0xF, s30;
	s9 =	sadd.s32 s28, s9  }
0x27: {  	[tilespmem:s29+$0x3060 ss:$0x81] =	vst.msk $0xffff, v62;
	s28 =	sshll.u32 s31, $0x12;
	s31 =	simm.s32 $0x20000;
	s9 =	sadd.s32 s13, s9  }
0x28: {  	[tilespmem:s29+$0x0 ss:$0x81] =	vst.msk $0xffff, v63;
	s1 =	sand.u32 $0x3FFFFFFF, s1;
	s30 =	sor.u32 $0x80, s28;
	s3 =	sadd.s32 s3, s9  }
0x29: {  	[hbm4b:s3+s30] =	stream.strided.scatter [tilespmem:s26], [sflag:$0x2], s1, s31, s30, $0x20;
	[tilespmem:$0x10100] =	vst v63  }
.LBB1_5:
0x2a: {  	p1 =	slt.u32 s20, $0x2;
	s3 =	smov.u32 s25  }
0x2b: {  	s26 =	sadd.s32 $0x80, s15;
	s27 =	smov.u32 s16;
	s28 =	smov.u32 s18  }
0x2c: {  	p0 =	por !p0, !p0;
	p2 =	sgt.s32 @!p1 s25, $0x1;
	s1 =	sshra.s32 @!p1 s25, $0x1F  }
0x2d: {  	p3 =	sgt.s32 @!p1 s24, $0x40;
	s9 =	sshra.s32 @!p1 s24, $0x1F;
	s13 =	sshra.s32 @!p1 s23, $0x1F  }
0x2e: {  	p2 =	por !p2, p1;
	s1 =	sand.u32 @!p1 s1, s25;
	p3 =	por !p3, p1  }
0x2f: {  	s9 =	sand.u32 @!p1 s9, s24;
	s13 =	sand.u32 @!p1 s13, s23;
	s25 =	smov.u32 s14  }
0x30: {  	s14 =	smov.u32 s19;
	s3 =	simm.s32 @p2 $0x1;
	s1 =	sxor.u32 @!p1 $0xFFFFFFFF, s1  }
0x31: {  	s1 =	sadd.s32 @!p1 s1, s3;
	s3 =	smov.u32 s24;
	s24 =	sshra.s32 @!p1 s22, $0x1F  }
0x32: {  	p2 =	sgt.s32 @!p1 s1, $0x0;
	s1 =	ssub.s32 @!p1 $0x1, s1;
	s3 =	simm.s32 @p3 $0x40  }
0x33: {  	p3 =	sgt.s32 @!p1 s23, $0x1F;
	p2 =	por !p2, p1;
	s3 =	ssub.s32 @!p1 s3, s9  }
0x34: {  	s9 =	smov.u32 s23;
	s1 =	simm.s32 @!p2 $0x0;
	p2 =	por !p3, p1  }
0x35: {  	s23 =	smov.u32 s22;
	s9 =	simm.s32 @p2 $0x1F;
	p2 =	sgt.s32 @!p1 s22, $0x1F  }
0x36: {  	p2 =	por !p2, p1;
	s9 =	ssub.s32 @!p1 s9, s13;
	s13 =	sand.u32 @!p1 s24, s22  }
0x37: {  	s22 =	sadd.s32 @!p1 $0xFFFFFFC0, s3;
	s3 =	ssub.s32 @!p1 $0xC0, s3;
	s23 =	simm.s32 @p2 $0x1F  }
0x38: {  	s24 =	sadd.s32 @!p1 $0xFFFFFFE1, s9;
	s9 =	ssub.s32 @!p1 $0x20, s9;
	p4 =	sgt.s32 @!p1 s22, $0x7F  }
0x39: {  	s22 =	smov.u32 s12;
	s13 =	ssub.s32 @!p1 s23, s13;
	p2 =	sgt.s32 @!p1 s24, $0x0  }
0x3a: {  	s12 =	smov.u32 s17;
	s23 =	sadd.s32 @!p1 $0xFFFFFFE1, s13;
	p2 =	por !p2, p1  }
0x3b: {  	s13 =	ssub.s32 @!p1 $0x20, s13;
	p3 =	sgt.s32 @!p1 s23, $0x0;
	s23 =	ssub.s32 @!p1 $0x0, s21  }
0x3c: {  	s9 =	simm.s32 @!p2 $0x0;
	p3 =	por !p3, p1;
	s21 =	smin.u32 @!p1 s21, s23  }
0x3d: {  	s1 =	smul.u32 @!p1 s1, s9;
	s9 =	sadd.s32 $0x80, s16;
	p2 =	sgt.s32 @!p1 s21, $0x7F  }
0x3e: {  	s13 =	simm.s32 @!p3 $0x0;
	p3 =	por !p2, p1;
	p2 =	sgt.s32 s26, $0xBF  }
0x3f: {  	s21 =	ssub.s32 @!p1 $0x80, s21;
	s1 =	smul.u32 @!p1 s13, s1;
	s27 =	smov.u32 @p2 s9  }
0x40: {  	s21 =	simm.s32 @!p3 $0x0;
	s9 =	simm.s32 $0x1;
	p3 =	sgt.s32 s27, $0x7F  }
0x41: {  	p4 =	por !p4, p1;
	s24 =	smov.u32 s10;
	s9 =	simm.s32 @!p3 $0x0  }
0x42: {  	s3 =	simm.s32 @!p4 $0x0;
	s1 =	smul.u32 @!p1 s21, s1;
	s9 =	sadd.s32 s9, s17  }
0x43: {  	s13 =	sadd.s32 $0x10, s18;
	s26 =	simm.s32 @p2 $0x0;
	p2 =	sgt.s32 s9, $0x1F  }
0x44: {  	s27 =	simm.s32 @p3 $0x0;
	s1 =	smul.u32 @!p1 s3, s1;
	s28 =	smov.u32 @p2 s13  }
0x45: {  	s3 =	sadd.s32 $0x2, s19;
	s13 =	smov.u32 s19;
	p3 =	sgt.s32 s28, $0x1F  }
0x46: {  	s10 =	smov.u32 s15;
	s23 =	smov.u32 s0;
	s13 =	smov.u32 @p3 s3  }
0x47: {  	s0 =	smov.u32 s18;
	s9 =	simm.s32 @p2 $0x0;
	p2 =	sgt.s32 s13, $0x1  }
0x48: {  	s21 =	smov.u32 s11;
	s13 =	smov.u32 @p2 s2;
	p2 =	sne.s32 s20, s8  }
.Ltmp1:
0x49: {  	s11 =	smov.u32 s16;
	s15 =	smov.u32 s26;
	(pc) =	sbr.rel @!p2 .LBB1_6-.Ltmp1, $4  }
0x4a: {  	s16 =	smov.u32 s27;
	s1 =	sand.u32 @!p1 $0x3FFFFFFF, s1;
	s3 =	simm.s32 @!p1 $0x2  }
0x4b: {  	s17 =	smov.u32 s9;
	s28 =	smov.u32 @p3 s5;
	_ =	swait.ge @!p1 [sflag:s3], s1  }
0x4c: {  	s1 =	ssub.s32 @!p1 $0x0, s1;
	s18 =	smov.u32 s28;
	[sflag:s3] =	ssyncset.done @!p1 $0x0  }
0x4d: {  	s20 =	sadd.s32 $0x1, s20;
	[sflag:s3] =	ssyncadd.s32 @!p1 s1;
	s19 =	smov.u32 s13  }
.LBB1_1:
0x4e: {  	p1 =	sge.u32 s20, s7  }
0x4f: {  	s26 =	sxor.u32 @!p1 $0xFFFFFFFF, s20;
	s27 =	sshll.u32 @!p1 s16, $0x8;
	s28 =	sshll.u32 @!p1 s15, $0x3  }
0x50: {  	s29 =	sshll.u32 @!p1 s16, $0x7;
	s30 =	sand.u32 @!p1 $0x78, s15;
	s31 =	sshll.u32 @!p1 s17, $0xC  }
0x51: {  	s26 =	sshll.u32 @!p1 s26, $0xE;
	s27 =	sand.u32 @!p1 $0x7800, s27;
	s28 =	sand.u32 @!p1 $0x7C00, s28  }
0x52: {  	s26 =	sand.u32 @!p1 $0x4000, s26;
	s27 =	sadd.s32 @!p1 s27, s28;
	s28 =	sand.u32 @!p1 $0x300, s29  }
0x53: {  	s27 =	sor.u32 @!p1 s28, s27;
	s28 =	sand.u32 @!p1 $0x80, s29;
	s29 =	sshll.u32 @!p1 s19, $0x16  }
0x54: {  	s28 =	sor.u32 @!p1 s30, s28;
	s30 =	sshll.u32 @!p1 s18, $0x11;
	s29 =	sadd.s32 @!p1 s4, s29  }
0x55: {  	s27 =	sshrl.u32 @!p1 s27, $0x3;
	s29 =	sadd.s32 @!p1 s30, s29;
	s28 =	sshrl.u32 @!p1 s28, $0x3  }
0x56: {  	s30 =	sand.u32 @!p1 $0x7, s15;
	s27 =	sand.u32 @!p1 $0xFE0, s27;
	s29 =	sadd.s32 @!p1 s31, s29  }
0x57: {  	s31 =	sadd.s32 $0xFFFFFFFF, s20;
	s28 =	sadd.s32 @!p1 s28, s29;
	s29 =	sshll.u32 @!p1 s30, $0x12  }
0x58: {  	s27 =	sadd.s32 @!p1 s27, s28;
	s28 =	sor.u32 @!p1 $0x400, s29;
	s29 =	simm.s32 @!p1 $0x800  }
0x59: {  	[tilespmem:s26], [sflag:$0x1] =	stream.strided.gather @!p1 [hbm4b:s27+s28], $0x4000, s29, s28, $0x38;
	[tilespmem:$0x10100] =	vst v63  }
0x5a: {  	p1 =	sge.u32 s31, s7  }
.Ltmp2:
0x5b: {  	_ = 	snop;
	(pc) =	sbr.rel @p1 .LBB1_5-.Ltmp2, $1  }
0x5c: {  	_ =	sdelay $0x3  }
0x5d: {  	s26 =	simm.s32 $0x1  }
0x5e: {  	_ =	swait.ge [sflag:s6], $0x4000;
	s26 =	simm.s32 @!p0 $0x0  }
0x5f: {  	[sflag:s6] =	ssyncset.done $0x0;
	s27 =	sshll.u32 s26, $0xE  }
0x60: {  	[sflag:s6] =	ssyncadd.s32 $0xFFFFC000;
	s27 =	sor.u32 $0x40, s27  }
0x61: {  	s26 =	smul.u32 $0x10200, s26;
	v0 =	vld [tilespmem:s27+$0x30]  }
0x62: {  	v1 =	vld [tilespmem:s27+$0xFFFFFFD0]  }
0x63: {  	s26 =	sshrl.u32 s26, $0x2;
	v5 =	vld [tilespmem:s27+$0xFFFFFFE0]  }
0x64: {  	v6 =	vld [tilespmem:s27+$0xFFFFFFF0];
	s29 =	sor.u32 $0x8000, s26  }
0x65: {  	s13 =	sand.u32 $0x1, s20;
	v4 =	vld [tilespmem:s27+$0x0];
	s28 =	sadd.s32 $0x0, s29  }
0x66: {  	v3 =	vld [tilespmem:s27+$0x10];
	s26 =	smul.u32 $0x10200, s13;
	[tilespmem:s28+$0x3870 ss:$0x81] =	vst.msk $0xffff, v0  }
0x67: {  	v2 =	vld [tilespmem:s27+$0x20];
	[tilespmem:s28+$0x810 ss:$0x81] =	vst.msk $0xffff, v1  }
0x68: {  	s26 =	sshrl.u32 s26, $0x2;
	v1 =	vld [tilespmem:s27+$0xFFFFFFC0];
	[tilespmem:s28+$0x1020 ss:$0x81] =	vst.msk $0xffff, v5;
	s27 =	sadd.s32 $0x80, s27  }
0x69: {  	s30 =	simm.s32 $0x4;
	s31 =	simm.s32 $0x8;
	s26 =	sor.u32 $0x8000, s26;
	[tilespmem:s28+$0x1830 ss:$0x81] =	vst.msk $0xffff, v6;
	v0 =	vld [tilespmem:s27+$0x30]  }
.LBB1_3:
0x6a: {  	p1 =	sne.s32 s31, $0x1FC;
	v5 =	vld [tilespmem:s27+$0xFFFFFFD0];
	[tilespmem:s28+$0x2040 ss:$0x81] =	vst.msk $0xffff, v4  }
0x6b: {  	v6 =	vld [tilespmem:s27+$0xFFFFFFE0];
	[tilespmem:s28+$0x2850 ss:$0x81] =	vst.msk $0xffff, v3  }
0x6c: {  	s1 =	sshra.s32 s30, $0x2;
	s30 =	smov.u32 s31;
	v7 =	vld [tilespmem:s27+$0xFFFFFFF0];
	[tilespmem:s28+$0x3060 ss:$0x81] =	vst.msk $0xffff, v2  }
.Ltmp3:
0x6d: {  	v4 =	vld [tilespmem:s27+$0x0];
	[tilespmem:s28+$0x0 ss:$0x81] =	vst.msk $0xffff, v1;
	s28 =	sadd.s32 s1, s29;
	(pc) =	sbr.rel @p1 .LBB1_3-.Ltmp3, $4  }
0x6e: {  	v3 =	vld [tilespmem:s27+$0x10];
	[tilespmem:s28+$0x3870 ss:$0x81] =	vst.msk $0xffff, v0  }
0x6f: {  	[tilespmem:s28+$0x810 ss:$0x81] =	vst.msk $0xffff, v5;
	v2 =	vld [tilespmem:s27+$0x20]  }
0x70: {  	v1 =	vld [tilespmem:s27+$0xFFFFFFC0];
	[tilespmem:s28+$0x1020 ss:$0x81] =	vst.msk $0xffff, v6;
	s27 =	sadd.s32 $0x80, s27  }
0x71: {  	s31 =	sadd.s32 $0x4, s31;
	v0 =	vld [tilespmem:s27+$0x30];
	[tilespmem:s28+$0x1830 ss:$0x81] =	vst.msk $0xffff, v7  }
.Ltmp4:
0x72: {  	_ = 	snop;
	(pc) =	sbr.rel .LBB1_4-.Ltmp4, $1  }
0x73: {  	_ =	sdelay $0x3  }
.LBB1_6:
0x74: {  	_ =	sfence.sel $0x180000  }
0x75: {  	s0 =	simm.s32 $0x1;
	[bflag:$0x0] =	sbarrier.arrive $0xFFFF  }
0x76: {  	s30 =	simm.s32 $0x2;
	[sflag:s0] =	ssyncpa.u1 $0x1  }
0x77: {  	[sflag:s30] =	ssyncpa.u1 $0x1  }
0x78: {  	_ =	strace $0x90000047  }
0x79: {  	s31 =	stileid.u32;
	[bflag:$0x2] =	sbarrier.arrive $0xFFFF  }
0x7a: {  	p0 =	sne.s32 s31, $0x0;
	s0 =	rddreg [dreg:$0x2]  }
0x7b: {  	s0 =	sadd.s32 @!p0 $0x100000, s0  }
0x7c: {  	[sflag:s0] =	ssyncadd.tile.s32 @!p0 $0x1;
	_ =	shalt  }
.Lfunc_end1:
_tile_overlayer_lowered:
.L_overlay_start_2:
0x7d: {  	(tag) =	ssettag $0x2  }
0x7e: {  	s0 =	rddreg [dreg:$0x0];
	s2 =	stileid.u32  }
0x7f: {  	s1 =	rddreg [dreg:$0x1];
	p0 =	sne.s32 s2, $0x0  }
0x80: {  	s3 =	rddreg [dreg:$0x2];
	[bflag:$0x3] =	sbarrier.arrive $0xFFFF;
	s2 =	simm.s32 @!p0 $0x1C01  }
0x81: {  	[timem:s3], [sflag:s2] =	dma.local @!p0 [hbm:s0], s1  }
0x82: {  	s0 =	simm.s32 @!p0 $0x1  }
0x83: {  	_ =	swait.ge @!p0 [sflag:s0], s1  }
0x84: {  	s1 =	ssub.s32 @!p0 $0x0, s1;
	[sflag:s0] =	ssyncset.done @!p0 $0x0  }
0x85: {  	[sflag:s0] =	ssyncadd.s32 @!p0 s1  }
0x86: {  	[bflag:$0x3] =	sbarrier.arrive $0xFFFF  }
0x87: {  	_ =	shalt  }

</sc_bundles>
